<compile_context>
chip_gen: v7x
topology: tpu7x:2x2x1
jax: 0.10.2.dev20260603
libtpu: 0.0.44.dev20260713+nightly
codegen_flags: <defaults>
</compile_context>

<pallas_src>
import functools

import jax
import jax.numpy as jnp
from jax import lax
from jax.experimental import pallas as pl
from jax.experimental.pallas import tpu as pltpu
from jax.experimental.pallas import tpu_sc as plsc

NUM_TOKENS = 4096 * 50
DIM = 128
NC, NS = 2, 16
NW = NC * NS
CHUNK = 128
CHUNKS_PER_W = NUM_TOKENS // (NW * CHUNK)
RING = 7
DEPTH = 5


def _make_kernel():
    mesh = plsc.VectorSubcoreMesh(core_axis_name="c", subcore_axis_name="s")

    @functools.partial(
        pl.kernel,
        out_type=jax.ShapeDtypeStruct((NUM_TOKENS, DIM), jnp.float32),
        mesh=mesh,
        scratch_types=[
            pltpu.VMEM((NUM_TOKENS // NW,), jnp.int32),
            pltpu.VMEM((RING, CHUNK, DIM), jnp.float32),
            pltpu.SemaphoreType.DMA((RING,)),
            pltpu.SemaphoreType.DMA((RING,)),
        ],
    )
    def gather_kernel(idx_hbm, table_hbm, out_hbm, idx_v, rows_v, sem_g, sem_o):
        wid = lax.axis_index("s") * NC + lax.axis_index("c")
        base = wid * (CHUNKS_PER_W * CHUNK)
        pltpu.sync_copy(idx_hbm.at[pl.ds(base, CHUNKS_PER_W * CHUNK)], idx_v)

        def gather(j, b):
            return pltpu.make_async_copy(
                table_hbm.at[idx_v.at[pl.ds(j * CHUNK, CHUNK)]],
                rows_v.at[b], sem_g.at[b])

        def outcopy(j, b):
            return pltpu.make_async_copy(
                rows_v.at[b], out_hbm.at[pl.ds(base + j * CHUNK, CHUNK)],
                sem_o.at[b])

        for j in range(DEPTH):
            gather(j, j).start()

        @pl.loop(0, CHUNKS_PER_W)
        def _body(j):
            s = lax.rem(j, RING)
            gather(j, s).wait()
            outcopy(j, s).start()
            g = j + DEPTH

            @pl.when(g < CHUNKS_PER_W)
            def _():
                sg = lax.rem(g, RING)

                @pl.when(g >= RING)
                def _():
                    outcopy(g - RING, sg).wait()

                gather(g, sg).start()

        for d in range(RING):
            j = CHUNKS_PER_W - RING + d
            outcopy(j, j % RING).wait()

    return gather_kernel


_gather = _make_kernel()


def kernel(token_ids, weight):
    idx = token_ids.astype(jnp.int32).T.reshape(NUM_TOKENS)
    out = _gather(idx, weight)
    seqs, seq_len = token_ids.shape
    return out.reshape(seq_len, seqs, DIM).transpose(1, 0, 2)

# --- scband reference (transcript-rebuilt; emitter-appended) ---
"""Pipeline reference for scband-embedding-37469294690630 (READ-ONLY COPY).

The authoritative reference and input builder live on the scoring server;
editing this copy changes nothing except your own understanding.
"""

import jax, jax.numpy as jnp
import numpy as np

NUM_EMBEDDINGS = 100000
EMBEDDING_DIM = 128


def setup_inputs(seed: int = 0) -> dict:
    key = jax.random.key(seed)
    k_idx, k_w = jax.random.split(key)
    token_ids = jax.random.randint(k_idx, (4096, 50), 0, NUM_EMBEDDINGS, dtype=jnp.int64 if jax.config.jax_enable_x64 else jnp.int32)
    weight = jax.random.normal(k_w, (NUM_EMBEDDINGS, EMBEDDING_DIM), dtype=jnp.float32)
    return {"token_ids": token_ids, "weight": weight}


def reference(token_ids, weight):
    # Faithful translation of torch.nn.Embedding forward: gather rows of the
    # embedding table by token id (max_norm=None, so no renormalization).
    return jnp.take(weight, token_ids, axis=0)

if __name__ == "__main__":
    import jax
    _d = setup_inputs()
    print(jax.jit(kernel)(*tuple(_d.values())))

</pallas_src>

<mosaic_0001>
#map = affine_map<(d0, d1) -> (0)>
#map1 = affine_map<(d0, d1) -> (0, 0)>
module attributes {stable_mosaic.version = 14 : i64} {
  func.func @gather_kernel(%arg0: i32, %arg1: i32, %arg2: memref<204800xi32, #tpu.memory_space<hbm>>, %arg3: memref<100000x128xf32, #tpu.memory_space<hbm>>, %arg4: memref<204800x128xf32, #tpu.memory_space<hbm>>, %arg5: memref<6400xi32, #tpu.memory_space<vmem>>, %arg6: memref<7x128x128xf32, #tpu.memory_space<vmem>>, %arg7: memref<7x!tpu.dma_semaphore, #tpu.memory_space<semaphore_mem>>, %arg8: memref<7x!tpu.dma_semaphore, #tpu.memory_space<semaphore_mem>>) attributes {dimension_semantics = [#tpu.dimension_semantics<core_parallel>, #tpu.dimension_semantics<subcore_parallel>], iteration_bounds = array<i64: 2, 16>, scalar_prefetch = 0 : i64, scratch_operands = 4 : i64, tpu.core_type = #tpu.core_type<sc_vector_subcore>, window_params = [{transform_indices = #map}, {transform_indices = #map1}, {transform_indices = #map1}]} {
    %mul3A = arith.constant 2 : i32
    %mul3A_0 = arith.muli %arg1, %mul3A : i32
    %add3A = arith.addi %mul3A_0, %arg0 : i32
    %mul3A_1 = arith.constant 6400 : i32
    %mul3A_2 = arith.muli %add3A, %mul3A_1 : i32
    "tpu.region"() ({
      %run_scoped3A = tpu.sem_alloc : memref<!tpu.dma_semaphore, #tpu.memory_space<semaphore_mem>>
      %dma_start3A_196 = tpu.memref_slice %arg2[%mul3A_2] : memref<204800xi32, #tpu.memory_space<hbm>> -> memref<6400xi32, #tpu.memory_space<hbm>>
      %dma_start3A_197 = tpu.memref_slice %arg2[%mul3A_2] : memref<204800xi32, #tpu.memory_space<hbm>> -> memref<6400xi32, #tpu.memory_space<hbm>>
      tpu.enqueue_dma source(%dma_start3A_197 : memref<6400xi32, #tpu.memory_space<hbm>>) target(%arg5 : memref<6400xi32, #tpu.memory_space<vmem>>) target_semaphore(%run_scoped3A : memref<!tpu.dma_semaphore, #tpu.memory_space<semaphore_mem>>)
      %dma_wait3A_198 = tpu.memref_slice %arg2[%mul3A_2] : memref<204800xi32, #tpu.memory_space<hbm>> -> memref<6400xi32, #tpu.memory_space<hbm>>
      %dma_wait3A_199 = tpu.memref_slice %arg2[%mul3A_2] : memref<204800xi32, #tpu.memory_space<hbm>> -> memref<6400xi32, #tpu.memory_space<hbm>>
      tpu.wait_dma2 semaphore(%run_scoped3A : memref<!tpu.dma_semaphore, #tpu.memory_space<semaphore_mem>>) src(%dma_wait3A_199 : memref<6400xi32, #tpu.memory_space<hbm>>) dst(%arg5 : memref<6400xi32, #tpu.memory_space<vmem>>)
      tpu.yield
    }) : () -> ()
    %dma_start3A = arith.constant 0 : i32
    %dma_start3A_3 = arith.constant 0 : i32
    %dma_start3A_4 = arith.constant 0 : i32
    %dma_start3A_5 = arith.constant 0 : i32
    %dma_start3A_6 = tpu.memref_slice %arg6[%dma_start3A, %dma_start3A_4, %dma_start3A_5] : memref<7x128x128xf32, #tpu.memory_space<vmem>> -> memref<1x128x128xf32, #tpu.memory_space<vmem>>
    %dma_start3A_7 = tpu.memref_squeeze %dma_start3A_6 : memref<1x128x128xf32, #tpu.memory_space<vmem>> -> memref<128x128xf32, #tpu.memory_space<vmem>>
    %dma_start3A_8 = arith.constant 0 : i32
    %dma_start3A_9 = tpu.memref_slice %arg5[%dma_start3A_8] : memref<6400xi32, #tpu.memory_space<vmem>> -> memref<128xi32, #tpu.memory_space<vmem>>
    %dma_start3A_10 = arith.constant 0 : i32
    %dma_start3A_11 = arith.constant 0 : i32
    %dma_start3A_12 = tpu.memref_slice %arg3[%dma_start3A_10, %dma_start3A_11] : memref<100000x128xf32, #tpu.memory_space<hbm>> -> memref<100000x128xf32, #tpu.memory_space<hbm>>
    %dma_start3A_13 = tpu.memref_slice %arg7[%dma_start3A_3] : memref<7x!tpu.dma_semaphore, #tpu.memory_space<semaphore_mem>> -> memref<1x!tpu.dma_semaphore, #tpu.memory_space<semaphore_mem>>
    %dma_start3A_14 = tpu.memref_squeeze %dma_start3A_13 : memref<1x!tpu.dma_semaphore, #tpu.memory_space<semaphore_mem>> -> memref<!tpu.dma_semaphore, #tpu.memory_space<semaphore_mem>>
    tpu.enqueue_indirect_dma source(%dma_start3A_12 : memref<100000x128xf32, #tpu.memory_space<hbm>>) target(%dma_start3A_7 : memref<128x128xf32, #tpu.memory_space<vmem>>) offsets(%dma_start3A_9 : memref<128xi32, #tpu.memory_space<vmem>>) semaphore(%dma_start3A_14 : memref<!tpu.dma_semaphore, #tpu.memory_space<semaphore_mem>>)
    %dma_start3A_15 = arith.constant 1 : i32
    %dma_start3A_16 = arith.constant 1 : i32
    %dma_start3A_17 = arith.constant 0 : i32
    %dma_start3A_18 = arith.constant 0 : i32
    %dma_start3A_19 = tpu.memref_slice %arg6[%dma_start3A_15, %dma_start3A_17, %dma_start3A_18] : memref<7x128x128xf32, #tpu.memory_space<vmem>> -> memref<1x128x128xf32, #tpu.memory_space<vmem>>
    %dma_start3A_20 = tpu.memref_squeeze %dma_start3A_19 : memref<1x128x128xf32, #tpu.memory_space<vmem>> -> memref<128x128xf32, #tpu.memory_space<vmem>>
    %dma_start3A_21 = arith.constant 128 : i32
    %dma_start3A_22 = tpu.memref_slice %arg5[%dma_start3A_21] : memref<6400xi32, #tpu.memory_space<vmem>> -> memref<128xi32, #tpu.memory_space<vmem>>
    %dma_start3A_23 = arith.constant 0 : i32
    %dma_start3A_24 = arith.constant 0 : i32
    %dma_start3A_25 = tpu.memref_slice %arg3[%dma_start3A_23, %dma_start3A_24] : memref<100000x128xf32, #tpu.memory_space<hbm>> -> memref<100000x128xf32, #tpu.memory_space<hbm>>
    %dma_start3A_26 = tpu.memref_slice %arg7[%dma_start3A_16] : memref<7x!tpu.dma_semaphore, #tpu.memory_space<semaphore_mem>> -> memref<1x!tpu.dma_semaphore, #tpu.memory_space<semaphore_mem>>
    %dma_start3A_27 = tpu.memref_squeeze %dma_start3A_26 : memref<1x!tpu.dma_semaphore, #tpu.memory_space<semaphore_mem>> -> memref<!tpu.dma_semaphore, #tpu.memory_space<semaphore_mem>>
    tpu.enqueue_indirect_dma source(%dma_start3A_25 : memref<100000x128xf32, #tpu.memory_space<hbm>>) target(%dma_start3A_20 : memref<128x128xf32, #tpu.memory_space<vmem>>) offsets(%dma_start3A_22 : memref<128xi32, #tpu.memory_space<vmem>>) semaphore(%dma_start3A_27 : memref<!tpu.dma_semaphore, #tpu.memory_space<semaphore_mem>>)
    %dma_start3A_28 = arith.constant 2 : i32
    %dma_start3A_29 = arith.constant 2 : i32
    %dma_start3A_30 = arith.constant 0 : i32
    %dma_start3A_31 = arith.constant 0 : i32
    %dma_start3A_32 = tpu.memref_slice %arg6[%dma_start3A_28, %dma_start3A_30, %dma_start3A_31] : memref<7x128x128xf32, #tpu.memory_space<vmem>> -> memref<1x128x128xf32, #tpu.memory_space<vmem>>
    %dma_start3A_33 = tpu.memref_squeeze %dma_start3A_32 : memref<1x128x128xf32, #tpu.memory_space<vmem>> -> memref<128x128xf32, #tpu.memory_space<vmem>>
    %dma_start3A_34 = arith.constant 256 : i32
    %dma_start3A_35 = tpu.memref_slice %arg5[%dma_start3A_34] : memref<6400xi32, #tpu.memory_space<vmem>> -> memref<128xi32, #tpu.memory_space<vmem>>
    %dma_start3A_36 = arith.constant 0 : i32
    %dma_start3A_37 = arith.constant 0 : i32
    %dma_start3A_38 = tpu.memref_slice %arg3[%dma_start3A_36, %dma_start3A_37] : memref<100000x128xf32, #tpu.memory_space<hbm>> -> memref<100000x128xf32, #tpu.memory_space<hbm>>
    %dma_start3A_39 = tpu.memref_slice %arg7[%dma_start3A_29] : memref<7x!tpu.dma_semaphore, #tpu.memory_space<semaphore_mem>> -> memref<1x!tpu.dma_semaphore, #tpu.memory_space<semaphore_mem>>
    %dma_start3A_40 = tpu.memref_squeeze %dma_start3A_39 : memref<1x!tpu.dma_semaphore, #tpu.memory_space<semaphore_mem>> -> memref<!tpu.dma_semaphore, #tpu.memory_space<semaphore_mem>>
    tpu.enqueue_indirect_dma source(%dma_start3A_38 : memref<100000x128xf32, #tpu.memory_space<hbm>>) target(%dma_start3A_33 : memref<128x128xf32, #tpu.memory_space<vmem>>) offsets(%dma_start3A_35 : memref<128xi32, #tpu.memory_space<vmem>>) semaphore(%dma_start3A_40 : memref<!tpu.dma_semaphore, #tpu.memory_space<semaphore_mem>>)
    %dma_start3A_41 = arith.constant 3 : i32
    %dma_start3A_42 = arith.constant 3 : i32
    %dma_start3A_43 = arith.constant 0 : i32
    %dma_start3A_44 = arith.constant 0 : i32
    %dma_start3A_45 = tpu.memref_slice %arg6[%dma_start3A_41, %dma_start3A_43, %dma_start3A_44] : memref<7x128x128xf32, #tpu.memory_space<vmem>> -> memref<1x128x128xf32, #tpu.memory_space<vmem>>
    %dma_start3A_46 = tpu.memref_squeeze %dma_start3A_45 : memref<1x128x128xf32, #tpu.memory_space<vmem>> -> memref<128x128xf32, #tpu.memory_space<vmem>>
    %dma_start3A_47 = arith.constant 384 : i32
    %dma_start3A_48 = tpu.memref_slice %arg5[%dma_start3A_47] : memref<6400xi32, #tpu.memory_space<vmem>> -> memref<128xi32, #tpu.memory_space<vmem>>
    %dma_start3A_49 = arith.constant 0 : i32
    %dma_start3A_50 = arith.constant 0 : i32
    %dma_start3A_51 = tpu.memref_slice %arg3[%dma_start3A_49, %dma_start3A_50] : memref<100000x128xf32, #tpu.memory_space<hbm>> -> memref<100000x128xf32, #tpu.memory_space<hbm>>
    %dma_start3A_52 = tpu.memref_slice %arg7[%dma_start3A_42] : memref<7x!tpu.dma_semaphore, #tpu.memory_space<semaphore_mem>> -> memref<1x!tpu.dma_semaphore, #tpu.memory_space<semaphore_mem>>
    %dma_start3A_53 = tpu.memref_squeeze %dma_start3A_52 : memref<1x!tpu.dma_semaphore, #tpu.memory_space<semaphore_mem>> -> memref<!tpu.dma_semaphore, #tpu.memory_space<semaphore_mem>>
    tpu.enqueue_indirect_dma source(%dma_start3A_51 : memref<100000x128xf32, #tpu.memory_space<hbm>>) target(%dma_start3A_46 : memref<128x128xf32, #tpu.memory_space<vmem>>) offsets(%dma_start3A_48 : memref<128xi32, #tpu.memory_space<vmem>>) semaphore(%dma_start3A_53 : memref<!tpu.dma_semaphore, #tpu.memory_space<semaphore_mem>>)
    %dma_start3A_54 = arith.constant 4 : i32
    %dma_start3A_55 = arith.constant 4 : i32
    %dma_start3A_56 = arith.constant 0 : i32
    %dma_start3A_57 = arith.constant 0 : i32
    %dma_start3A_58 = tpu.memref_slice %arg6[%dma_start3A_54, %dma_start3A_56, %dma_start3A_57] : memref<7x128x128xf32, #tpu.memory_space<vmem>> -> memref<1x128x128xf32, #tpu.memory_space<vmem>>
    %dma_start3A_59 = tpu.memref_squeeze %dma_start3A_58 : memref<1x128x128xf32, #tpu.memory_space<vmem>> -> memref<128x128xf32, #tpu.memory_space<vmem>>
    %dma_start3A_60 = arith.constant 512 : i32
    %dma_start3A_61 = tpu.memref_slice %arg5[%dma_start3A_60] : memref<6400xi32, #tpu.memory_space<vmem>> -> memref<128xi32, #tpu.memory_space<vmem>>
    %dma_start3A_62 = arith.constant 0 : i32
    %dma_start3A_63 = arith.constant 0 : i32
    %dma_start3A_64 = tpu.memref_slice %arg3[%dma_start3A_62, %dma_start3A_63] : memref<100000x128xf32, #tpu.memory_space<hbm>> -> memref<100000x128xf32, #tpu.memory_space<hbm>>
    %dma_start3A_65 = tpu.memref_slice %arg7[%dma_start3A_55] : memref<7x!tpu.dma_semaphore, #tpu.memory_space<semaphore_mem>> -> memref<1x!tpu.dma_semaphore, #tpu.memory_space<semaphore_mem>>
    %dma_start3A_66 = tpu.memref_squeeze %dma_start3A_65 : memref<1x!tpu.dma_semaphore, #tpu.memory_space<semaphore_mem>> -> memref<!tpu.dma_semaphore, #tpu.memory_space<semaphore_mem>>
    tpu.enqueue_indirect_dma source(%dma_start3A_64 : memref<100000x128xf32, #tpu.memory_space<hbm>>) target(%dma_start3A_59 : memref<128x128xf32, #tpu.memory_space<vmem>>) offsets(%dma_start3A_61 : memref<128xi32, #tpu.memory_space<vmem>>) semaphore(%dma_start3A_66 : memref<!tpu.dma_semaphore, #tpu.memory_space<semaphore_mem>>)
    %scan3A = arith.constant 0 : i32
    %scan3A_67 = arith.constant 50 : i32
    %scan3A_68 = arith.addi %scan3A, %scan3A_67 : i32
    %scan3A_69 = arith.constant 1 : i32
    scf.for %scan3A_196 = %scan3A to %scan3A_68 step %scan3A_69  : i32 {
      %mul3A_197 = arith.constant 1 : i32
      %mul3A_198 = arith.muli %scan3A_196, %mul3A_197 : i32
      %add3A_199 = arith.constant 0 : i32
      %add3A_200 = arith.addi %add3A_199, %mul3A_198 : i32
      %rem3A = arith.constant 7 : i32
      %rem3A_201 = arith.remsi %add3A_200, %rem3A : i32
      %mul3A_202 = arith.constant 128 : i32
      %mul3A_203 = arith.muli %add3A_200, %mul3A_202 : i32
      %dma_wait3A_204 = arith.constant 0 : i32
      %dma_wait3A_205 = arith.constant 0 : i32
      %dma_wait3A_206 = tpu.memref_slice %arg6[%rem3A_201, %dma_wait3A_204, %dma_wait3A_205] : memref<7x128x128xf32, #tpu.memory_space<vmem>> -> memref<1x128x128xf32, #tpu.memory_space<vmem>>
      %dma_wait3A_207 = tpu.memref_squeeze %dma_wait3A_206 : memref<1x128x128xf32, #tpu.memory_space<vmem>> -> memref<128x128xf32, #tpu.memory_space<vmem>>
      %dma_wait3A_208 = tpu.memref_slice %arg5[%mul3A_203] : memref<6400xi32, #tpu.memory_space<vmem>> -> memref<128xi32, #tpu.memory_space<vmem>>
      %dma_wait3A_209 = arith.constant 0 : i32
      %dma_wait3A_210 = arith.constant 0 : i32
      %dma_wait3A_211 = tpu.memref_slice %arg3[%dma_wait3A_209, %dma_wait3A_210] : memref<100000x128xf32, #tpu.memory_space<hbm>> -> memref<100000x128xf32, #tpu.memory_space<hbm>>
      %dma_wait3A_212 = tpu.memref_slice %arg7[%rem3A_201] : memref<7x!tpu.dma_semaphore, #tpu.memory_space<semaphore_mem>> -> memref<1x!tpu.dma_semaphore, #tpu.memory_space<semaphore_mem>>
      %dma_wait3A_213 = tpu.memref_squeeze %dma_wait3A_212 : memref<1x!tpu.dma_semaphore, #tpu.memory_space<semaphore_mem>> -> memref<!tpu.dma_semaphore, #tpu.memory_space<semaphore_mem>>
      tpu.wait_indirect_dma semaphore(%dma_wait3A_213 : memref<!tpu.dma_semaphore, #tpu.memory_space<semaphore_mem>>) src(%dma_wait3A_211 : memref<100000x128xf32, #tpu.memory_space<hbm>>) dst(%dma_wait3A_207 : memref<128x128xf32, #tpu.memory_space<vmem>>)
      %mul3A_214 = arith.constant 128 : i32
      %mul3A_215 = arith.muli %add3A_200, %mul3A_214 : i32
      %add3A_216 = arith.addi %mul3A_2, %mul3A_215 : i32
      %dma_start3A_217 = arith.constant 0 : i32
      %dma_start3A_218 = arith.constant 0 : i32
      %dma_start3A_219 = tpu.memref_slice %arg6[%rem3A_201, %dma_start3A_217, %dma_start3A_218] : memref<7x128x128xf32, #tpu.memory_space<vmem>> -> memref<1x128x128xf32, #tpu.memory_space<vmem>>
      %dma_start3A_220 = tpu.memref_squeeze %dma_start3A_219 : memref<1x128x128xf32, #tpu.memory_space<vmem>> -> memref<128x128xf32, #tpu.memory_space<vmem>>
      %dma_start3A_221 = arith.constant 0 : i32
      %dma_start3A_222 = tpu.memref_slice %arg4[%add3A_216, %dma_start3A_221] : memref<204800x128xf32, #tpu.memory_space<hbm>> -> memref<128x128xf32, #tpu.memory_space<hbm>>
      %dma_start3A_223 = tpu.memref_slice %arg8[%rem3A_201] : memref<7x!tpu.dma_semaphore, #tpu.memory_space<semaphore_mem>> -> memref<1x!tpu.dma_semaphore, #tpu.memory_space<semaphore_mem>>
      %dma_start3A_224 = tpu.memref_squeeze %dma_start3A_223 : memref<1x!tpu.dma_semaphore, #tpu.memory_space<semaphore_mem>> -> memref<!tpu.dma_semaphore, #tpu.memory_space<semaphore_mem>>
      %dma_start3A_225 = arith.constant 0 : i32
      %dma_start3A_226 = tpu.memref_slice %arg4[%add3A_216, %dma_start3A_225] : memref<204800x128xf32, #tpu.memory_space<hbm>> -> memref<128x128xf32, #tpu.memory_space<hbm>>
      %dma_start3A_227 = arith.constant 0 : i32
      %dma_start3A_228 = arith.constant 0 : i32
      %dma_start3A_229 = tpu.memref_slice %arg6[%rem3A_201, %dma_start3A_227, %dma_start3A_228] : memref<7x128x128xf32, #tpu.memory_space<vmem>> -> memref<1x128x128xf32, #tpu.memory_space<vmem>>
      %dma_start3A_230 = tpu.memref_squeeze %dma_start3A_229 : memref<1x128x128xf32, #tpu.memory_space<vmem>> -> memref<128x128xf32, #tpu.memory_space<vmem>>
      tpu.enqueue_dma source(%dma_start3A_230 : memref<128x128xf32, #tpu.memory_space<vmem>>) target(%dma_start3A_226 : memref<128x128xf32, #tpu.memory_space<hbm>>) target_semaphore(%dma_start3A_224 : memref<!tpu.dma_semaphore, #tpu.memory_space<semaphore_mem>>)
      %add3A_231 = arith.constant 5 : i32
      %add3A_232 = arith.addi %add3A_200, %add3A_231 : i32
      %lt3A = arith.constant 50 : i32
      %lt3A_233 = arith.cmpi slt, %add3A_232, %lt3A : i32
      %convert_element_type3A = arith.extui %lt3A_233 : i1 to i32
      %cond3A = arith.constant 0 : i32
      %cond3A_234 = arith.cmpi ne, %convert_element_type3A, %cond3A : i32
      scf.if %cond3A_234 {
        %rem3A_235 = arith.constant 7 : i32
        %rem3A_236 = arith.remsi %add3A_232, %rem3A_235 : i32
        %ge3A = arith.constant 7 : i32
        %ge3A_237 = arith.cmpi sge, %add3A_232, %ge3A : i32
        %convert_element_type3A_238 = arith.extui %ge3A_237 : i1 to i32
        %cond3A_239 = arith.constant 0 : i32
        %cond3A_240 = arith.cmpi ne, %convert_element_type3A_238, %cond3A_239 : i32
        scf.if %cond3A_240 {
          %sub3A = arith.constant 7 : i32
          %sub3A_253 = arith.subi %add3A_232, %sub3A : i32
          %mul3A_254 = arith.constant 128 : i32
          %mul3A_255 = arith.muli %sub3A_253, %mul3A_254 : i32
          %add3A_256 = arith.addi %mul3A_2, %mul3A_255 : i32
          %dma_wait3A_257 = arith.constant 0 : i32
          %dma_wait3A_258 = arith.constant 0 : i32
          %dma_wait3A_259 = tpu.memref_slice %arg6[%rem3A_236, %dma_wait3A_257, %dma_wait3A_258] : memref<7x128x128xf32, #tpu.memory_space<vmem>> -> memref<1x128x128xf32, #tpu.memory_space<vmem>>
          %dma_wait3A_260 = tpu.memref_squeeze %dma_wait3A_259 : memref<1x128x128xf32, #tpu.memory_space<vmem>> -> memref<128x128xf32, #tpu.memory_space<vmem>>
          %dma_wait3A_261 = arith.constant 0 : i32
          %dma_wait3A_262 = tpu.memref_slice %arg4[%add3A_256, %dma_wait3A_261] : memref<204800x128xf32, #tpu.memory_space<hbm>> -> memref<128x128xf32, #tpu.memory_space<hbm>>
          %dma_wait3A_263 = tpu.memref_slice %arg8[%rem3A_236] : memref<7x!tpu.dma_semaphore, #tpu.memory_space<semaphore_mem>> -> memref<1x!tpu.dma_semaphore, #tpu.memory_space<semaphore_mem>>
          %dma_wait3A_264 = tpu.memref_squeeze %dma_wait3A_263 : memref<1x!tpu.dma_semaphore, #tpu.memory_space<semaphore_mem>> -> memref<!tpu.dma_semaphore, #tpu.memory_space<semaphore_mem>>
          %dma_wait3A_265 = arith.constant 0 : i32
          %dma_wait3A_266 = tpu.memref_slice %arg4[%add3A_256, %dma_wait3A_265] : memref<204800x128xf32, #tpu.memory_space<hbm>> -> memref<128x128xf32, #tpu.memory_space<hbm>>
          %dma_wait3A_267 = arith.constant 0 : i32
          %dma_wait3A_268 = arith.constant 0 : i32
          %dma_wait3A_269 = tpu.memref_slice %arg6[%rem3A_236, %dma_wait3A_267, %dma_wait3A_268] : memref<7x128x128xf32, #tpu.memory_space<vmem>> -> memref<1x128x128xf32, #tpu.memory_space<vmem>>
          %dma_wait3A_270 = tpu.memref_squeeze %dma_wait3A_269 : memref<1x128x128xf32, #tpu.memory_space<vmem>> -> memref<128x128xf32, #tpu.memory_space<vmem>>
          tpu.wait_dma2 semaphore(%dma_wait3A_264 : memref<!tpu.dma_semaphore, #tpu.memory_space<semaphore_mem>>) src(%dma_wait3A_270 : memref<128x128xf32, #tpu.memory_space<vmem>>) dst(%dma_wait3A_266 : memref<128x128xf32, #tpu.memory_space<hbm>>)
        } else {
        }
        %mul3A_241 = arith.constant 128 : i32
        %mul3A_242 = arith.muli %add3A_232, %mul3A_241 : i32
        %dma_start3A_243 = arith.constant 0 : i32
        %dma_start3A_244 = arith.constant 0 : i32
        %dma_start3A_245 = tpu.memref_slice %arg6[%rem3A_236, %dma_start3A_243, %dma_start3A_244] : memref<7x128x128xf32, #tpu.memory_space<vmem>> -> memref<1x128x128xf32, #tpu.memory_space<vmem>>
        %dma_start3A_246 = tpu.memref_squeeze %dma_start3A_245 : memref<1x128x128xf32, #tpu.memory_space<vmem>> -> memref<128x128xf32, #tpu.memory_space<vmem>>
        %dma_start3A_247 = tpu.memref_slice %arg5[%mul3A_242] : memref<6400xi32, #tpu.memory_space<vmem>> -> memref<128xi32, #tpu.memory_space<vmem>>
        %dma_start3A_248 = arith.constant 0 : i32
        %dma_start3A_249 = arith.constant 0 : i32
        %dma_start3A_250 = tpu.memref_slice %arg3[%dma_start3A_248, %dma_start3A_249] : memref<100000x128xf32, #tpu.memory_space<hbm>> -> memref<100000x128xf32, #tpu.memory_space<hbm>>
        %dma_start3A_251 = tpu.memref_slice %arg7[%rem3A_236] : memref<7x!tpu.dma_semaphore, #tpu.memory_space<semaphore_mem>> -> memref<1x!tpu.dma_semaphore, #tpu.memory_space<semaphore_mem>>
        %dma_start3A_252 = tpu.memref_squeeze %dma_start3A_251 : memref<1x!tpu.dma_semaphore, #tpu.memory_space<semaphore_mem>> -> memref<!tpu.dma_semaphore, #tpu.memory_space<semaphore_mem>>
        tpu.enqueue_indirect_dma source(%dma_start3A_250 : memref<100000x128xf32, #tpu.memory_space<hbm>>) target(%dma_start3A_246 : memref<128x128xf32, #tpu.memory_space<vmem>>) offsets(%dma_start3A_247 : memref<128xi32, #tpu.memory_space<vmem>>) semaphore(%dma_start3A_252 : memref<!tpu.dma_semaphore, #tpu.memory_space<semaphore_mem>>)
      } else {
      }
    }
    %scan3A_70 = arith.constant 50 : i32
    %add3A_71 = arith.constant 5504 : i32
    %add3A_72 = arith.addi %mul3A_2, %add3A_71 : i32
    %dma_wait3A = arith.constant 1 : i32
    %dma_wait3A_73 = arith.constant 1 : i32
    %dma_wait3A_74 = arith.constant 0 : i32
    %dma_wait3A_75 = arith.constant 0 : i32
    %dma_wait3A_76 = tpu.memref_slice %arg6[%dma_wait3A, %dma_wait3A_74, %dma_wait3A_75] : memref<7x128x128xf32, #tpu.memory_space<vmem>> -> memref<1x128x128xf32, #tpu.memory_space<vmem>>
    %dma_wait3A_77 = tpu.memref_squeeze %dma_wait3A_76 : memref<1x128x128xf32, #tpu.memory_space<vmem>> -> memref<128x128xf32, #tpu.memory_space<vmem>>
    %dma_wait3A_78 = arith.constant 0 : i32
    %dma_wait3A_79 = tpu.memref_slice %arg4[%add3A_72, %dma_wait3A_78] : memref<204800x128xf32, #tpu.memory_space<hbm>> -> memref<128x128xf32, #tpu.memory_space<hbm>>
    %dma_wait3A_80 = tpu.memref_slice %arg8[%dma_wait3A_73] : memref<7x!tpu.dma_semaphore, #tpu.memory_space<semaphore_mem>> -> memref<1x!tpu.dma_semaphore, #tpu.memory_space<semaphore_mem>>
    %dma_wait3A_81 = tpu.memref_squeeze %dma_wait3A_80 : memref<1x!tpu.dma_semaphore, #tpu.memory_space<semaphore_mem>> -> memref<!tpu.dma_semaphore, #tpu.memory_space<semaphore_mem>>
    %dma_wait3A_82 = arith.constant 0 : i32
    %dma_wait3A_83 = tpu.memref_slice %arg4[%add3A_72, %dma_wait3A_82] : memref<204800x128xf32, #tpu.memory_space<hbm>> -> memref<128x128xf32, #tpu.memory_space<hbm>>
    %dma_wait3A_84 = arith.constant 0 : i32
    %dma_wait3A_85 = arith.constant 0 : i32
    %dma_wait3A_86 = tpu.memref_slice %arg6[%dma_wait3A, %dma_wait3A_84, %dma_wait3A_85] : memref<7x128x128xf32, #tpu.memory_space<vmem>> -> memref<1x128x128xf32, #tpu.memory_space<vmem>>
    %dma_wait3A_87 = tpu.memref_squeeze %dma_wait3A_86 : memref<1x128x128xf32, #tpu.memory_space<vmem>> -> memref<128x128xf32, #tpu.memory_space<vmem>>
    tpu.wait_dma2 semaphore(%dma_wait3A_81 : memref<!tpu.dma_semaphore, #tpu.memory_space<semaphore_mem>>) src(%dma_wait3A_87 : memref<128x128xf32, #tpu.memory_space<vmem>>) dst(%dma_wait3A_83 : memref<128x128xf32, #tpu.memory_space<hbm>>)
    %add3A_88 = arith.constant 5632 : i32
    %add3A_89 = arith.addi %mul3A_2, %add3A_88 : i32
    %dma_wait3A_90 = arith.constant 2 : i32
    %dma_wait3A_91 = arith.constant 2 : i32
    %dma_wait3A_92 = arith.constant 0 : i32
    %dma_wait3A_93 = arith.constant 0 : i32
    %dma_wait3A_94 = tpu.memref_slice %arg6[%dma_wait3A_90, %dma_wait3A_92, %dma_wait3A_93] : memref<7x128x128xf32, #tpu.memory_space<vmem>> -> memref<1x128x128xf32, #tpu.memory_space<vmem>>
    %dma_wait3A_95 = tpu.memref_squeeze %dma_wait3A_94 : memref<1x128x128xf32, #tpu.memory_space<vmem>> -> memref<128x128xf32, #tpu.memory_space<vmem>>
    %dma_wait3A_96 = arith.constant 0 : i32
    %dma_wait3A_97 = tpu.memref_slice %arg4[%add3A_89, %dma_wait3A_96] : memref<204800x128xf32, #tpu.memory_space<hbm>> -> memref<128x128xf32, #tpu.memory_space<hbm>>
    %dma_wait3A_98 = tpu.memref_slice %arg8[%dma_wait3A_91] : memref<7x!tpu.dma_semaphore, #tpu.memory_space<semaphore_mem>> -> memref<1x!tpu.dma_semaphore, #tpu.memory_space<semaphore_mem>>
    %dma_wait3A_99 = tpu.memref_squeeze %dma_wait3A_98 : memref<1x!tpu.dma_semaphore, #tpu.memory_space<semaphore_mem>> -> memref<!tpu.dma_semaphore, #tpu.memory_space<semaphore_mem>>
    %dma_wait3A_100 = arith.constant 0 : i32
    %dma_wait3A_101 = tpu.memref_slice %arg4[%add3A_89, %dma_wait3A_100] : memref<204800x128xf32, #tpu.memory_space<hbm>> -> memref<128x128xf32, #tpu.memory_space<hbm>>
    %dma_wait3A_102 = arith.constant 0 : i32
    %dma_wait3A_103 = arith.constant 0 : i32
    %dma_wait3A_104 = tpu.memref_slice %arg6[%dma_wait3A_90, %dma_wait3A_102, %dma_wait3A_103] : memref<7x128x128xf32, #tpu.memory_space<vmem>> -> memref<1x128x128xf32, #tpu.memory_space<vmem>>
    %dma_wait3A_105 = tpu.memref_squeeze %dma_wait3A_104 : memref<1x128x128xf32, #tpu.memory_space<vmem>> -> memref<128x128xf32, #tpu.memory_space<vmem>>
    tpu.wait_dma2 semaphore(%dma_wait3A_99 : memref<!tpu.dma_semaphore, #tpu.memory_space<semaphore_mem>>) src(%dma_wait3A_105 : memref<128x128xf32, #tpu.memory_space<vmem>>) dst(%dma_wait3A_101 : memref<128x128xf32, #tpu.memory_space<hbm>>)
    %add3A_106 = arith.constant 5760 : i32
    %add3A_107 = arith.addi %mul3A_2, %add3A_106 : i32
    %dma_wait3A_108 = arith.constant 3 : i32
    %dma_wait3A_109 = arith.constant 3 : i32
    %dma_wait3A_110 = arith.constant 0 : i32
    %dma_wait3A_111 = arith.constant 0 : i32
    %dma_wait3A_112 = tpu.memref_slice %arg6[%dma_wait3A_108, %dma_wait3A_110, %dma_wait3A_111] : memref<7x128x128xf32, #tpu.memory_space<vmem>> -> memref<1x128x128xf32, #tpu.memory_space<vmem>>
    %dma_wait3A_113 = tpu.memref_squeeze %dma_wait3A_112 : memref<1x128x128xf32, #tpu.memory_space<vmem>> -> memref<128x128xf32, #tpu.memory_space<vmem>>
    %dma_wait3A_114 = arith.constant 0 : i32
    %dma_wait3A_115 = tpu.memref_slice %arg4[%add3A_107, %dma_wait3A_114] : memref<204800x128xf32, #tpu.memory_space<hbm>> -> memref<128x128xf32, #tpu.memory_space<hbm>>
    %dma_wait3A_116 = tpu.memref_slice %arg8[%dma_wait3A_109] : memref<7x!tpu.dma_semaphore, #tpu.memory_space<semaphore_mem>> -> memref<1x!tpu.dma_semaphore, #tpu.memory_space<semaphore_mem>>
    %dma_wait3A_117 = tpu.memref_squeeze %dma_wait3A_116 : memref<1x!tpu.dma_semaphore, #tpu.memory_space<semaphore_mem>> -> memref<!tpu.dma_semaphore, #tpu.memory_space<semaphore_mem>>
    %dma_wait3A_118 = arith.constant 0 : i32
    %dma_wait3A_119 = tpu.memref_slice %arg4[%add3A_107, %dma_wait3A_118] : memref<204800x128xf32, #tpu.memory_space<hbm>> -> memref<128x128xf32, #tpu.memory_space<hbm>>
    %dma_wait3A_120 = arith.constant 0 : i32
    %dma_wait3A_121 = arith.constant 0 : i32
    %dma_wait3A_122 = tpu.memref_slice %arg6[%dma_wait3A_108, %dma_wait3A_120, %dma_wait3A_121] : memref<7x128x128xf32, #tpu.memory_space<vmem>> -> memref<1x128x128xf32, #tpu.memory_space<vmem>>
    %dma_wait3A_123 = tpu.memref_squeeze %dma_wait3A_122 : memref<1x128x128xf32, #tpu.memory_space<vmem>> -> memref<128x128xf32, #tpu.memory_space<vmem>>
    tpu.wait_dma2 semaphore(%dma_wait3A_117 : memref<!tpu.dma_semaphore, #tpu.memory_space<semaphore_mem>>) src(%dma_wait3A_123 : memref<128x128xf32, #tpu.memory_space<vmem>>) dst(%dma_wait3A_119 : memref<128x128xf32, #tpu.memory_space<hbm>>)
    %add3A_124 = arith.constant 5888 : i32
    %add3A_125 = arith.addi %mul3A_2, %add3A_124 : i32
    %dma_wait3A_126 = arith.constant 4 : i32
    %dma_wait3A_127 = arith.constant 4 : i32
    %dma_wait3A_128 = arith.constant 0 : i32
    %dma_wait3A_129 = arith.constant 0 : i32
    %dma_wait3A_130 = tpu.memref_slice %arg6[%dma_wait3A_126, %dma_wait3A_128, %dma_wait3A_129] : memref<7x128x128xf32, #tpu.memory_space<vmem>> -> memref<1x128x128xf32, #tpu.memory_space<vmem>>
    %dma_wait3A_131 = tpu.memref_squeeze %dma_wait3A_130 : memref<1x128x128xf32, #tpu.memory_space<vmem>> -> memref<128x128xf32, #tpu.memory_space<vmem>>
    %dma_wait3A_132 = arith.constant 0 : i32
    %dma_wait3A_133 = tpu.memref_slice %arg4[%add3A_125, %dma_wait3A_132] : memref<204800x128xf32, #tpu.memory_space<hbm>> -> memref<128x128xf32, #tpu.memory_space<hbm>>
    %dma_wait3A_134 = tpu.memref_slice %arg8[%dma_wait3A_127] : memref<7x!tpu.dma_semaphore, #tpu.memory_space<semaphore_mem>> -> memref<1x!tpu.dma_semaphore, #tpu.memory_space<semaphore_mem>>
    %dma_wait3A_135 = tpu.memref_squeeze %dma_wait3A_134 : memref<1x!tpu.dma_semaphore, #tpu.memory_space<semaphore_mem>> -> memref<!tpu.dma_semaphore, #tpu.memory_space<semaphore_mem>>
    %dma_wait3A_136 = arith.constant 0 : i32
    %dma_wait3A_137 = tpu.memref_slice %arg4[%add3A_125, %dma_wait3A_136] : memref<204800x128xf32, #tpu.memory_space<hbm>> -> memref<128x128xf32, #tpu.memory_space<hbm>>
    %dma_wait3A_138 = arith.constant 0 : i32
    %dma_wait3A_139 = arith.constant 0 : i32
    %dma_wait3A_140 = tpu.memref_slice %arg6[%dma_wait3A_126, %dma_wait3A_138, %dma_wait3A_139] : memref<7x128x128xf32, #tpu.memory_space<vmem>> -> memref<1x128x128xf32, #tpu.memory_space<vmem>>
    %dma_wait3A_141 = tpu.memref_squeeze %dma_wait3A_140 : memref<1x128x128xf32, #tpu.memory_space<vmem>> -> memref<128x128xf32, #tpu.memory_space<vmem>>
    tpu.wait_dma2 semaphore(%dma_wait3A_135 : memref<!tpu.dma_semaphore, #tpu.memory_space<semaphore_mem>>) src(%dma_wait3A_141 : memref<128x128xf32, #tpu.memory_space<vmem>>) dst(%dma_wait3A_137 : memref<128x128xf32, #tpu.memory_space<hbm>>)
    %add3A_142 = arith.constant 6016 : i32
    %add3A_143 = arith.addi %mul3A_2, %add3A_142 : i32
    %dma_wait3A_144 = arith.constant 5 : i32
    %dma_wait3A_145 = arith.constant 5 : i32
    %dma_wait3A_146 = arith.constant 0 : i32
    %dma_wait3A_147 = arith.constant 0 : i32
    %dma_wait3A_148 = tpu.memref_slice %arg6[%dma_wait3A_144, %dma_wait3A_146, %dma_wait3A_147] : memref<7x128x128xf32, #tpu.memory_space<vmem>> -> memref<1x128x128xf32, #tpu.memory_space<vmem>>
    %dma_wait3A_149 = tpu.memref_squeeze %dma_wait3A_148 : memref<1x128x128xf32, #tpu.memory_space<vmem>> -> memref<128x128xf32, #tpu.memory_space<vmem>>
    %dma_wait3A_150 = arith.constant 0 : i32
    %dma_wait3A_151 = tpu.memref_slice %arg4[%add3A_143, %dma_wait3A_150] : memref<204800x128xf32, #tpu.memory_space<hbm>> -> memref<128x128xf32, #tpu.memory_space<hbm>>
    %dma_wait3A_152 = tpu.memref_slice %arg8[%dma_wait3A_145] : memref<7x!tpu.dma_semaphore, #tpu.memory_space<semaphore_mem>> -> memref<1x!tpu.dma_semaphore, #tpu.memory_space<semaphore_mem>>
    %dma_wait3A_153 = tpu.memref_squeeze %dma_wait3A_152 : memref<1x!tpu.dma_semaphore, #tpu.memory_space<semaphore_mem>> -> memref<!tpu.dma_semaphore, #tpu.memory_space<semaphore_mem>>
    %dma_wait3A_154 = arith.constant 0 : i32
    %dma_wait3A_155 = tpu.memref_slice %arg4[%add3A_143, %dma_wait3A_154] : memref<204800x128xf32, #tpu.memory_space<hbm>> -> memref<128x128xf32, #tpu.memory_space<hbm>>
    %dma_wait3A_156 = arith.constant 0 : i32
    %dma_wait3A_157 = arith.constant 0 : i32
    %dma_wait3A_158 = tpu.memref_slice %arg6[%dma_wait3A_144, %dma_wait3A_156, %dma_wait3A_157] : memref<7x128x128xf32, #tpu.memory_space<vmem>> -> memref<1x128x128xf32, #tpu.memory_space<vmem>>
    %dma_wait3A_159 = tpu.memref_squeeze %dma_wait3A_158 : memref<1x128x128xf32, #tpu.memory_space<vmem>> -> memref<128x128xf32, #tpu.memory_space<vmem>>
    tpu.wait_dma2 semaphore(%dma_wait3A_153 : memref<!tpu.dma_semaphore, #tpu.memory_space<semaphore_mem>>) src(%dma_wait3A_159 : memref<128x128xf32, #tpu.memory_space<vmem>>) dst(%dma_wait3A_155 : memref<128x128xf32, #tpu.memory_space<hbm>>)
    %add3A_160 = arith.constant 6144 : i32
    %add3A_161 = arith.addi %mul3A_2, %add3A_160 : i32
    %dma_wait3A_162 = arith.constant 6 : i32
    %dma_wait3A_163 = arith.constant 6 : i32
    %dma_wait3A_164 = arith.constant 0 : i32
    %dma_wait3A_165 = arith.constant 0 : i32
    %dma_wait3A_166 = tpu.memref_slice %arg6[%dma_wait3A_162, %dma_wait3A_164, %dma_wait3A_165] : memref<7x128x128xf32, #tpu.memory_space<vmem>> -> memref<1x128x128xf32, #tpu.memory_space<vmem>>
    %dma_wait3A_167 = tpu.memref_squeeze %dma_wait3A_166 : memref<1x128x128xf32, #tpu.memory_space<vmem>> -> memref<128x128xf32, #tpu.memory_space<vmem>>
    %dma_wait3A_168 = arith.constant 0 : i32
    %dma_wait3A_169 = tpu.memref_slice %arg4[%add3A_161, %dma_wait3A_168] : memref<204800x128xf32, #tpu.memory_space<hbm>> -> memref<128x128xf32, #tpu.memory_space<hbm>>
    %dma_wait3A_170 = tpu.memref_slice %arg8[%dma_wait3A_163] : memref<7x!tpu.dma_semaphore, #tpu.memory_space<semaphore_mem>> -> memref<1x!tpu.dma_semaphore, #tpu.memory_space<semaphore_mem>>
    %dma_wait3A_171 = tpu.memref_squeeze %dma_wait3A_170 : memref<1x!tpu.dma_semaphore, #tpu.memory_space<semaphore_mem>> -> memref<!tpu.dma_semaphore, #tpu.memory_space<semaphore_mem>>
    %dma_wait3A_172 = arith.constant 0 : i32
    %dma_wait3A_173 = tpu.memref_slice %arg4[%add3A_161, %dma_wait3A_172] : memref<204800x128xf32, #tpu.memory_space<hbm>> -> memref<128x128xf32, #tpu.memory_space<hbm>>
    %dma_wait3A_174 = arith.constant 0 : i32
    %dma_wait3A_175 = arith.constant 0 : i32
    %dma_wait3A_176 = tpu.memref_slice %arg6[%dma_wait3A_162, %dma_wait3A_174, %dma_wait3A_175] : memref<7x128x128xf32, #tpu.memory_space<vmem>> -> memref<1x128x128xf32, #tpu.memory_space<vmem>>
    %dma_wait3A_177 = tpu.memref_squeeze %dma_wait3A_176 : memref<1x128x128xf32, #tpu.memory_space<vmem>> -> memref<128x128xf32, #tpu.memory_space<vmem>>
    tpu.wait_dma2 semaphore(%dma_wait3A_171 : memref<!tpu.dma_semaphore, #tpu.memory_space<semaphore_mem>>) src(%dma_wait3A_177 : memref<128x128xf32, #tpu.memory_space<vmem>>) dst(%dma_wait3A_173 : memref<128x128xf32, #tpu.memory_space<hbm>>)
    %add3A_178 = arith.constant 6272 : i32
    %add3A_179 = arith.addi %mul3A_2, %add3A_178 : i32
    %dma_wait3A_180 = arith.constant 0 : i32
    %dma_wait3A_181 = arith.constant 0 : i32
    %dma_wait3A_182 = arith.constant 0 : i32
    %dma_wait3A_183 = arith.constant 0 : i32
    %dma_wait3A_184 = tpu.memref_slice %arg6[%dma_wait3A_180, %dma_wait3A_182, %dma_wait3A_183] : memref<7x128x128xf32, #tpu.memory_space<vmem>> -> memref<1x128x128xf32, #tpu.memory_space<vmem>>
    %dma_wait3A_185 = tpu.memref_squeeze %dma_wait3A_184 : memref<1x128x128xf32, #tpu.memory_space<vmem>> -> memref<128x128xf32, #tpu.memory_space<vmem>>
    %dma_wait3A_186 = arith.constant 0 : i32
    %dma_wait3A_187 = tpu.memref_slice %arg4[%add3A_179, %dma_wait3A_186] : memref<204800x128xf32, #tpu.memory_space<hbm>> -> memref<128x128xf32, #tpu.memory_space<hbm>>
    %dma_wait3A_188 = tpu.memref_slice %arg8[%dma_wait3A_181] : memref<7x!tpu.dma_semaphore, #tpu.memory_space<semaphore_mem>> -> memref<1x!tpu.dma_semaphore, #tpu.memory_space<semaphore_mem>>
    %dma_wait3A_189 = tpu.memref_squeeze %dma_wait3A_188 : memref<1x!tpu.dma_semaphore, #tpu.memory_space<semaphore_mem>> -> memref<!tpu.dma_semaphore, #tpu.memory_space<semaphore_mem>>
    %dma_wait3A_190 = arith.constant 0 : i32
    %dma_wait3A_191 = tpu.memref_slice %arg4[%add3A_179, %dma_wait3A_190] : memref<204800x128xf32, #tpu.memory_space<hbm>> -> memref<128x128xf32, #tpu.memory_space<hbm>>
    %dma_wait3A_192 = arith.constant 0 : i32
    %dma_wait3A_193 = arith.constant 0 : i32
    %dma_wait3A_194 = tpu.memref_slice %arg6[%dma_wait3A_180, %dma_wait3A_192, %dma_wait3A_193] : memref<7x128x128xf32, #tpu.memory_space<vmem>> -> memref<1x128x128xf32, #tpu.memory_space<vmem>>
    %dma_wait3A_195 = tpu.memref_squeeze %dma_wait3A_194 : memref<1x128x128xf32, #tpu.memory_space<vmem>> -> memref<128x128xf32, #tpu.memory_space<vmem>>
    tpu.wait_dma2 semaphore(%dma_wait3A_189 : memref<!tpu.dma_semaphore, #tpu.memory_space<semaphore_mem>>) src(%dma_wait3A_195 : memref<128x128xf32, #tpu.memory_space<vmem>>) dst(%dma_wait3A_191 : memref<128x128xf32, #tpu.memory_space<hbm>>)
    return
  }
}

</mosaic_0001>

<sc_bundles>
// kernel: kernel.3.cloned.1.call-start
scs
__scs_entry_jumppad:
0x0: {  	(pc) =	sbr.rel $0x88, $3  }
0x1: {  	(tag) =	ssettag $0x0;
	lr =	simm.s32 $0x1  }
0x2: {  	[smem:$0x3F9F] =	sst lr;
	_ =	strace $0xD0000000  }
0x3: {  	_ = 	snop  }
0x4: {  	_ = 	snop  }
0x5: {  	_ = 	snop  }
0x6: {  	_ = 	snop  }
0x7: {  	_ = 	snop  }
__scs_overlays_trampoline_lowered:
0x8: {  	[smem:$0x3FAE] =	sst s0  }
0x9: {  	[smem:$0x3FAF] =	sst s1  }
0xa: {  	[smem:$0x3FB0] =	sst s2  }
0xb: {  	[smem:$0x3FB1] =	sst s3  }
0xc: {  	[smem:$0x3FB2] =	sst s4  }
0xd: {  	[smem:$0x3FB3] =	sst s5  }
0xe: {  	[smem:$0x3FB4] =	sst s6  }
0xf: {  	[smem:$0x3FB5] =	sst s7  }
0x10: {  	[smem:$0x3FB6] =	sst s8  }
0x11: {  	[smem:$0x3FB7] =	sst s9;
	s0 =	simm.s32 @!p0 $0x0  }
0x12: {  	s1 =	sld [smem:$0x3F9D];
	s0 =	simm.s32 @p0 $0x1  }
0x13: {  	[smem:$0x3FB8] =	sst s0;
	s0 =	simm.s32 @!p1 $0x0  }
0x14: {  	s2 =	sld [smem:$0x3F9C];
	s0 =	simm.s32 @p1 $0x1  }
0x15: {  	[smem:$0x3FB9] =	sst s0;
	s0 =	simm.s32 @!p2 $0x0  }
0x16: {  	s3 =	sld [smem:$0x3FDB];
	s0 =	simm.s32 @p2 $0x1  }
0x17: {  	s4 =	simm.s32 $0x1BF5;
	[smem:$0x3FBB] =	sst s0  }
0x18: {  	s0 =	sld [smem:$0x3F9E];
	_ =	swait.ge [sflag:s4], $0x0  }
0x19: {  	s7 =	sld [smem:$0x3F9F]  }
0x1a: {  	s8 =	sadd.s32 $0xFFFFE003, lr  }
0x1b: {  	s9 =	sadd.s32 $0xFFFFFEF7, lr;
	s5 =	simm.s32 $0xFFFFFFFF;
	p2 =	slt.u32 s8, $0xFFFFF086  }
0x1c: {  	p1 =	slt.u32 s9, $0xF7A;
	s5 =	simm.s32 @!p2 $0x0  }
0x1d: {  	s5 =	simm.s32 @p1 $0x1;
	p0 =	seq.s32 s7, s2  }
0x1e: {  	s7 =	smul.u32 @!p0 $0xF7A, s2;
	p2 =	seq.s32 @!p0 s5, $0x0  }
0x1f: {  	s9 =	smul.u32 $0xF7A, s1;
	s8 =	simm.s32 @!p0 $0x1BF5;
	p2 =	por !p2, p0  }
0x20: {  	[sflag:s8] =	ssyncset.s32 @!p0 $0xFFFFF086;
	s6 =	sadd.s32 @!p0 s3, s7;
	s7 =	simm.s32 @!p0 $0x108  }
0x21: {  	s3 =	sadd.s32 s3, s9;
	s6 =	sadd.s32 @!p0 $0x88, s6;
	s7 =	simm.s32 @p2 $0x1082  }
0x22: {  	[simem:s7], [sflag:s8] =	dma.local @!p0 [hbm:s6], $0xF7A  }
0x23: {  	s9 =	sor.u32 $0xD0000000, s2;
	s6 =	simm.s32 $0x108;
	_ =	swait.ge @!p0 [sflag:s8], $0x0  }
0x24: {  	s3 =	sadd.s32 $0x88, s3;
	s6 =	simm.s32 @!p1 $0x1082;
	[sflag:s4] =	ssyncset.s32 $0xFFFFF086  }
0x25: {  	[simem:s6], [sflag:s4] =	dma.local [hbm:s3], $0xF7A  }
0x26: {  	[smem:$0x3F9F] =	sst s1;
	(tag) =	ssettag s2;
	_ =	strace s9  }
0x27: {  	s1 =	sld [smem:$0x3FAF]  }
0x28: {  	s2 =	sld [smem:$0x3FB0]  }
0x29: {  	s4 =	sld [smem:$0x3FB2]  }
0x2a: {  	p0 =	seq.s32 s5, $0x0;
	s5 =	sld [smem:$0x3FB3]  }
0x2b: {  	s6 =	sld [smem:$0x3FB4]  }
0x2c: {  	s7 =	sld [smem:$0x3FB5]  }
0x2d: {  	s3 =	simm.s32 $0x108;
	s8 =	sld [smem:$0x3FB6]  }
0x2e: {  	s3 =	simm.s32 @!p0 $0x1082;
	s9 =	sld [smem:$0x3FB7]  }
0x2f: {  	lr =	sadd.s32 s0, s3;
	s0 =	sld [smem:$0x3FAE]  }
0x30: {  	s3 =	sld [smem:$0x3FB1]  }
0x31: {  	[smem:$0x3FBA] =	sst s10  }
0x32: {  	s10 =	sld [smem:$0x3FB8];
	_ =	sdelay $0x3  }
0x33: {  	p0 =	seq.s32 s10, $0x1;
	s10 =	sld [smem:$0x3FBA];
	_ =	sdelay $0x3  }
0x34: {  	[smem:$0x3FBA] =	sst s10  }
0x35: {  	s10 =	sld [smem:$0x3FB9];
	_ =	sdelay $0x3  }
0x36: {  	p1 =	seq.s32 s10, $0x1;
	s10 =	sld [smem:$0x3FBA];
	_ =	sdelay $0x3  }
0x37: {  	[smem:$0x3FBA] =	sst s10  }
0x38: {  	s10 =	sld [smem:$0x3FBB]  }
0x39: {  	_ = 	snop;
	(pc) =	sbr.ind lr, $3  }
0x3a: {  	_ = 	snop  }
0x3b: {  	_ = 	snop  }
0x3c: {  	p2 =	seq.s32 s10, $0x1;
	s10 =	sld [smem:$0x3FBA]  }
0x3d: {  	_ =	shalt  }
0x3e: {  	_ =	shalt  }
0x3f: {  	_ =	shalt  }
0x40: {  	_ =	shalt  }
0x41: {  	_ =	shalt  }
0x42: {  	_ =	shalt  }
0x43: {  	_ =	shalt  }
0x44: {  	_ =	shalt  }
0x45: {  	_ =	shalt  }
0x46: {  	_ =	shalt  }
0x47: {  	_ =	shalt  }
0x48: {  	_ =	shalt  }
0x49: {  	_ =	shalt  }
0x4a: {  	_ =	shalt  }
0x4b: {  	_ =	shalt  }
0x4c: {  	_ =	shalt  }
0x4d: {  	_ =	shalt  }
0x4e: {  	_ =	shalt  }
0x4f: {  	_ =	shalt  }
0x50: {  	_ =	shalt  }
0x51: {  	_ =	shalt  }
0x52: {  	_ =	shalt  }
0x53: {  	_ =	shalt  }
0x54: {  	_ =	shalt  }
0x55: {  	_ =	shalt  }
0x56: {  	_ =	shalt  }
0x57: {  	_ =	shalt  }
0x58: {  	_ =	shalt  }
0x59: {  	_ =	shalt  }
0x5a: {  	_ =	shalt  }
0x5b: {  	_ =	shalt  }
0x5c: {  	_ =	shalt  }
0x5d: {  	_ =	shalt  }
0x5e: {  	_ =	shalt  }
0x5f: {  	_ =	shalt  }
0x60: {  	_ =	shalt  }
0x61: {  	_ =	shalt  }
0x62: {  	_ =	shalt  }
0x63: {  	_ =	shalt  }
0x64: {  	_ =	shalt  }
0x65: {  	_ =	shalt  }
0x66: {  	_ =	shalt  }
0x67: {  	_ =	shalt  }
0x68: {  	_ =	shalt  }
0x69: {  	_ =	shalt  }
0x6a: {  	_ =	shalt  }
0x6b: {  	_ =	shalt  }
0x6c: {  	_ =	shalt  }
0x6d: {  	_ =	shalt  }
0x6e: {  	_ =	shalt  }
0x6f: {  	_ =	shalt  }
0x70: {  	_ =	shalt  }
0x71: {  	_ =	shalt  }
0x72: {  	_ =	shalt  }
0x73: {  	_ =	shalt  }
0x74: {  	_ =	shalt  }
0x75: {  	_ =	shalt  }
0x76: {  	_ =	shalt  }
0x77: {  	_ =	shalt  }
0x78: {  	_ =	shalt  }
0x79: {  	_ =	shalt  }
0x7a: {  	_ =	shalt  }
0x7b: {  	_ =	shalt  }
0x7c: {  	_ =	shalt  }
0x7d: {  	_ =	shalt  }
0x7e: {  	_ =	shalt  }
0x7f: {  	_ =	shalt  }
0x80: {  	_ =	shalt  }
0x81: {  	_ =	shalt  }
0x82: {  	_ =	shalt  }
0x83: {  	_ =	shalt  }
0x84: {  	_ =	shalt  }
0x85: {  	_ =	shalt  }
0x86: {  	_ =	shalt  }
0x87: {  	_ =	shalt  }
.Lfunc_end0:
.L_simem_size_0:
called_computation_lowered:
.L_overlay_start_0:
0x88: {  	s2 =	sld [smem:$0x3FD9]  }
0x89: {  	s3 =	sld [smem:$0x3FFE];
	_ =	sdelay $0x1  }
0x8a: {  	s1 =	srdreg.scid  }
0x8b: {  	s0 =	sand.u32 $0x1, s1  }
0x8c: {  	s17 =	sshll.u32 s0, $0xA;
	s2 =	sadd.s32 s3, s2  }
0x8d: {  	s2 =	sadd.s32 s2, s17  }
0x8e: {  	[smem:$0x3FC6] =	sst s2  }
0x8f: {  	_ = 	snop  }
0x90: {  	s2 =	sld [smem:$0x3FC8]  }
0x91: {  	s18 =	sld [smem:$0x3FD0];
	(tm) =	ssettm $0x1  }
0x92: {  	s4 =	sld [smem:$0x3FFB];
	_ =	sdelay $0x3  }
0x93: {  	_ =	strace s4  }
0x94: {  	s4 =	sld [smem:$0x3FFC];
	_ =	sdelay $0x3  }
0x95: {  	_ =	strace s4  }
0x96: {  	s4 =	sld [smem:$0x3FFD];
	_ =	sdelay $0x3  }
0x97: {  	_ =	strace s4  }
0x98: {  	_ =	strace $0x8FFFFFFF  }
0x99: {  	s19 =	sld [smem:$0x3FDB];
	_ =	sdelay $0x1  }
0x9a: {  	s5 =	simm.s32 $_scs_section_size  }
0x9b: {  	s6 =	simm.s32 $_size__tile_overlayer_lowered;
	s7 =	simm.s32 $_tile_overlayer_lowered  }
0x9c: {  	s22 =	simm.s32 $0x1BFF;
	s21 =	sshll.u32 s7, $0x1;
	s4 =	sadd.s32 s5, s19  }
0x9d: {  	s8 =	simm.s32 $0x0;
	s20 =	sshll.u32 s6, $0x1;
	s6 =	sadd.s32 s21, s4  }
0x9e: {  	[timem:s8], [sflag:s22] =	dma.local [hbm:s6], s20  }
0x9f: {  	_ =	swait.ge [sflag:s22], s20  }
0xa0: {  	s5 =	ssub.s32 $0x0, s20;
	[sflag:s22] =	ssyncset.done $0x0  }
0xa1: {  	[sflag:s22] =	ssyncadd.s32 s5;
	_ =	sdelay $0x1  }
0xa2: {  	s23 =	simm.s32 $0x1B8B  }
0xa3: {  	_ =	swait.ge [sflag:s23], $0x1  }
0xa4: {  	[sflag:s23] =	ssyncset.done $0x0  }
0xa5: {  	s25 =	simm.s32 $0x1B8E;
	s24 =	sld [smem:$0x3FFE];
	[sflag:s23] =	ssyncadd.s32 $0xFFFFFFFF  }
0xa6: {  	s26 =	simm.s32 $execute0_lowered;
	[smem:$0x3FD2] =	sst s25  }
0xa7: {  	s6 =	sshll.u32 s26, $0x1;
	_ =	strace $0x80000046;
	[dreg:$0x1] =	wrdreg $0xFFFFFFFF  }
0xa8: {  	s28 =	simm.s32 $_size_execute0_lowered;
	s4 =	sadd.s32 s4, s6;
	[dreg:$0x0] =	wrdreg $0x0  }
0xa9: {  	s6 =	sshll.u32 s28, $0x1;
	[dreg:$0x2] =	wrdreg s4  }
0xaa: {  	[dreg:$0x3] =	wrdreg s6  }
0xab: {  	[dreg:$0x4] =	wrdreg $0xC0  }
0xac: {  	_ =	task [dreg:s8], $0x5FFFF  }
0xad: {  	[dreg:$0x1] =	wrdreg $0xFFFFFFFF  }
0xae: {  	[dreg:$0x0] =	wrdreg $0x60  }
0xaf: {  	[dreg:$0x2] =	wrdreg s24  }
0xb0: {  	[dreg:$0x3] =	wrdreg s2  }
0xb1: {  	[dreg:$0x4] =	wrdreg s18  }
0xb2: {  	[dreg:$0x5] =	wrdreg $0x9  }
0xb3: {  	_ =	task.clear_ibuf [dreg:s8], $0x6FFFF;
	_ =	strace $0x90000046  }
0xb4: {  	s29 =	simm.s32 $0x9;
	_ =	strace $0x80000048  }
0xb5: {  	_ =	swait.ge [sflag:s29], $0x1  }
0xb6: {  	[sflag:s29] =	ssyncadd.s32 $0xFFFFFFFF  }
0xb7: {  	_ =	strace $0x90000048  }
0xb8: {  	_ =	sfence  }
0xb9: {  	s30 =	sld [smem:$0x0];
	_ =	sdelay $0x2  }
0xba: {  	s31 =	sshll.u32 s1, $0xD;
	s1 =	sshrl.u32 s1, $0x2  }
0xbb: {  	s3 =	sand.u32 $0x4000, s31;
	s1 =	sadd.s32 s1, s30  }
0xbc: {  	s0 =	sor.u32 s3, s0;
	s1 =	sshll.u32 s1, $0x11  }
0xbd: {  	s0 =	sor.u32 s1, s0  }
0xbe: {  	s0 =	sadd.s32 $0x8F2B, s0  }
0xbf: {  	[sflag:s0] =	ssyncadd.remote.s32 $0x1  }
0xc0: {  	_ =	sfence.sel $0xFFFF  }
0xc1: {  	[dreg:$0x0] =	wrdreg $0xFFFFFFFF;
	(pc) =	sbr.abs _section_cstart, $3  }
0xc2: {  	[dreg:$0x1] =	wrdreg $0xFFFFFFFF  }
0xc3: {  	_ =	task.clear_ibuf [dreg:s8], $0x2FFFF;
	_ =	strace $0x9FFFFFFF  }
0xc4: {  	(tm) =	ssettm $0x7FFFFFFF  }
0xc5: {  	_ =	shalt  }
tec
execute0_lowered:
.L_overlay_start_1:
0x0: {  	(tag) =	ssettag $0x1  }
0x1: {  	s0 =	rddreg [dreg:$0x0]  }
0x2: {  	s2 =	rddreg [dreg:$0x1]  }
0x3: {  	s1 =	rddreg [dreg:$0x2]  }
0x4: {  	s3 =	srdreg.scid;
	s6 =	stileid.u32  }
0x5: {  	s15 =	simm.s32 $0x200;
	s16 =	simm.s32 $0x11900;
	s17 =	simm.s32 $0x9  }
0x6: {  	s18 =	simm.s32 $0xA;
	s19 =	simm.s32 $0xB;
	s20 =	simm.s32 $0xC  }
0x7: {  	s21 =	simm.s32 $0xD;
	s22 =	simm.s32 $0xE;
	s23 =	simm.s32 $0x8  }
0x8: {  	s24 =	simm.s32 $0x0;
	s4 =	sand.u32 $0x1, s3;
	s5 =	sshll.u32 s6, $0x1  }
0x9: {  	s6 =	smul.u32 $0x190000, s6;
	s3 =	simm.s32 $0x0;
	s5 =	sor.u32 s4, s5  }
0xa: {  	s7 =	smul.u32 $0xC8000, s4;
	[smem:$0x7FF] =	sst s3;
	s4 =	ssub.s32 $0x2, s4  }
0xb: {  	s5 =	smul.u32 $0x320, s5;
	_ =	strace $0x80000047;
	s8 =	sshrl.u32 s4, $0x1  }
0xc: {  	s6 =	sadd.s32 s7, s6;
	s31 =	ssub.s32 s4, s8;
	s7 =	simm.s32 $0xF  }
0xd: {  	s8 =	simm.s32 $0x80;
	s0 =	sadd.s32 s5, s0;
	s6 =	sshrl.u32 s6, $0x3  }
0xe: {  	s5 =	smax.u32 s31, $0x1;
	s4 =	sadd.s32 $0x400, s0;
	s6 =	sadd.s32 s6, s1  }
.LBB2_1:
0xf: {  	[tilespmem:s3], [sflag:$0xF] =	stream.linear.gather [hbm4b:s4+s3], $0x1900, $0x38;
	[tilespmem:$0x1D900] =	vst v63  }
0x10: {  	_ =	swait.ge [sflag:s7], $0x1900  }
0x11: {  	[sflag:s7] =	ssyncset.done $0x0  }
0x12: {  	s0 =	simm.s32 $0x1900;
	s12 =	smul.u32 $0x25, s3;
	[sflag:s7] =	ssyncadd.s32 $0xFFFFE700  }
0x13: {  	[tilespmem:s0], [sflag:$0x1] =	stream.indirect.gather [hbm4b:s2+s8], $0x80, s3, s8, $0xb8;
	[tilespmem:$0x1D900] =	vst v63  }
0x14: {  	s1 =	simm.s32 $0x5900;
	s9 =	simm.s32 $0x100;
	s0 =	sshrl.u32 s12, $0x8  }
0x15: {  	[tilespmem:s1], [sflag:$0x2] =	stream.indirect.gather [hbm4b:s2+s8], $0x80, s8, s8, $0xb8;
	[tilespmem:$0x1D900] =	vst v63  }
0x16: {  	s10 =	simm.s32 $0x180;
	s13 =	ssub.s32 $0x0, s0;
	s1 =	simm.s32 $0x9900  }
0x17: {  	[tilespmem:s1], [sflag:$0x3] =	stream.indirect.gather [hbm4b:s2+s8], $0x80, s9, s8, $0xb8;
	[tilespmem:$0x1D900] =	vst v63  }
0x18: {  	p0 =	por $0x0, $0x0;
	s9 =	simm.s32 $0x5;
	s1 =	sand.u32 $0xFE, s13  }
0x19: {  	s11 =	simm.s32 $0xD900;
	s9 =	smul.u32 @!p0 $0x25, s9;
	s1 =	sshrl.u32 s1, $0x1  }
0x1a: {  	[tilespmem:s11], [sflag:$0x4] =	stream.indirect.gather [hbm4b:s2+s8], $0x80, s10, s8, $0xb8;
	[tilespmem:$0x1D900] =	vst v63  }
0x1b: {  	s0 =	sadd.s32 s0, s1;
	s1 =	sshrl.u32 @!p0 s9, $0x8  }
0x1c: {  	[tilespmem:s16], [sflag:$0x5] =	stream.indirect.gather [hbm4b:s2+s8], $0x80, s15, s8, $0xb8;
	[tilespmem:$0x1D900] =	vst v63  }
0x1d: {  	s0 =	sand.u32 $0xFC, s0;
	s9 =	ssub.s32 @!p0 $0x5, s1  }
0x1e: {  	s0 =	sshrl.u32 s0, $0x2;
	s9 =	sand.u32 @!p0 $0xFE, s9  }
0x1f: {  	s26 =	simm.s32 $0x280;
	s0 =	smul.u32 $0x7, s0;
	s9 =	sshrl.u32 @!p0 s9, $0x1  }
0x20: {  	s28 =	simm.s32 $0x1;
	s31 =	simm.s32 $0x2;
	s1 =	sadd.s32 @!p0 s1, s9  }
0x21: {  	s30 =	smov.u32 s6;
	s0 =	ssub.s32 $0x0, s0;
	s1 =	sand.u32 @!p0 $0xFC, s1  }
0x22: {  	p1 =	por @!p0 $0x1, $0x1;
	s0 =	sand.u32 $0xFF, s0;
	s1 =	sshrl.u32 @!p0 s1, $0x2  }
0x23: {  	p1 =	por p1, p0;
	s14 =	sadd.s32 $0x1, s0;
	s1 =	smul.u32 @!p0 $0x7, s1  }
0x24: {  	s9 =	smul.u32 $0x25, s28;
	s25 =	sshll.u32 s0, $0xE;
	_ =	swait.ge [sflag:s14], $0x4000  }
0x25: {  	s29 =	sor.u32 $0x8, s0;
	[sflag:s14] =	ssyncset.done $0x0;
	s1 =	ssub.s32 @!p0 $0x5, s1  }
0x26: {  	s25 =	sor.u32 $0x1900, s25;
	[sflag:s14] =	ssyncadd.s32 $0xFFFFC000;
	s0 =	sand.u32 @!p0 $0xFF, s1  }
0x27: {  	[hbm4b:s6+s3] =	stream.linear.scatter [tilespmem:s25], [sflag:s29], $0x4000, $0x38;
	[tilespmem:$0x1D900] =	vst v63  }
0x28: {  	s25 =	simm.s32 $0x300;
	s1 =	sshll.u32 @!p0 s0, $0xE;
	s29 =	sadd.s32 @!p1 $0x8, s0  }
.LBB2_2:
0x29: {  	s9 =	sshrl.u32 s9, $0x8;
	s30 =	sadd.s32 $0x800, s30  }
0x2a: {  	s10 =	smov.u32 s31;
	s31 =	sadd.s32 $0x1, s31;
	p4 =	por p0, p0  }
0x2b: {  	s12 =	sadd.s32 $0x5, s28;
	p0 =	sgt.u32 s28, $0x2C;
	s11 =	ssub.s32 s28, s9  }
0x2c: {  	s13 =	smul.u32 @!p0 $0x25, s12;
	p3 =	slt.u32 @!p0 s28, $0x2;
	s11 =	sand.u32 $0xFE, s11  }
0x2d: {  	p2 =	sne.s32 s31, $0x32;
	s11 =	sshrl.u32 s11, $0x1  }
0x2e: {  	s9 =	sadd.s32 s9, s11;
	s11 =	sshrl.u32 @!p0 s13, $0x8  }
0x2f: {  	s9 =	sand.u32 $0xFC, s9;
	s13 =	ssub.s32 @!p0 s12, s11  }
0x30: {  	s14 =	simm.s32 @!p4 $0x80;
	s9 =	sshrl.u32 s9, $0x2;
	s13 =	sand.u32 @!p0 $0xFE, s13  }
0x31: {  	s0 =	sadd.s32 @!p4 $0x1, s0;
	s9 =	smul.u32 $0x7, s9;
	s13 =	sshrl.u32 @!p0 s13, $0x1  }
0x32: {  	s1 =	sor.u32 @!p4 $0x1900, s1;
	s11 =	sadd.s32 @!p0 s11, s13;
	_ =	swait.ge @!p1 [sflag:s29], $0x4000  }
0x33: {  	s9 =	ssub.s32 s28, s9;
	s11 =	sand.u32 @!p0 $0xFC, s11;
	[sflag:s29] =	ssyncset.done @!p1 $0x0  }
0x34: {  	s9 =	sand.u32 $0xFF, s9;
	s11 =	sshrl.u32 @!p0 s11, $0x2;
	[sflag:s29] =	ssyncadd.s32 @!p1 $0xFFFFC000  }
0x35: {  	s13 =	sadd.s32 $0x1, s9;
	s28 =	sshll.u32 s9, $0xE;
	s11 =	smul.u32 @!p0 $0x7, s11  }
0x36: {  	[tilespmem:s1], [sflag:s0] =	stream.indirect.gather @!p4 [hbm4b:s2+s14], $0x80, s26, s14, $0xb8;
	[tilespmem:$0x1D900] =	vst v63  }
0x37: {  	s14 =	sor.u32 $0x1900, s28;
	s28 =	smov.u32 s10;
	s0 =	ssub.s32 @!p0 s12, s11  }
.Ltmp0:
0x38: {  	s10 =	sor.u32 $0x8, s9;
	s0 =	sand.u32 @!p0 $0xFF, s0;
	(pc) =	sbr.rel @p2 .LBB2_2-.Ltmp0, $4  }
0x39: {  	p1 =	por p3, p0;
	_ =	swait.ge [sflag:s13], $0x4000;
	s1 =	sshll.u32 @!p0 s0, $0xE  }
0x3a: {  	s26 =	smov.u32 s25;
	s29 =	sadd.s32 @!p1 $0x8, s0;
	[sflag:s13] =	ssyncset.done $0x0  }
0x3b: {  	s25 =	sadd.s32 $0x80, s25;
	s9 =	smul.u32 $0x25, s28;
	[sflag:s13] =	ssyncadd.s32 $0xFFFFC000  }
0x3c: {  	[hbm4b:s30+s3] =	stream.linear.scatter [tilespmem:s14], [sflag:s10], $0x4000, $0x38;
	[tilespmem:$0x1D900] =	vst v63  }
0x3d: {  	s9 =	sshrl.u32 s9, $0x8;
	s11 =	sadd.s32 $0x5, s28  }
0x3e: {  	p2 =	sgt.u32 s28, $0x2C;
	p3 =	por p0, p0;
	_ =	swait.ge @!p1 [sflag:s29], $0x4000  }
0x3f: {  	s10 =	ssub.s32 s28, s9;
	s12 =	smul.u32 @!p2 $0x25, s11;
	s14 =	simm.s32 @!p3 $0x80  }
0x40: {  	s0 =	sadd.s32 @!p3 $0x1, s0;
	[sflag:s29] =	ssyncset.done @!p1 $0x0;
	s10 =	sand.u32 $0xFE, s10  }
0x41: {  	s1 =	sor.u32 @!p3 $0x1900, s1;
	[sflag:s29] =	ssyncadd.s32 @!p1 $0xFFFFC000;
	s10 =	sshrl.u32 s10, $0x1  }
0x42: {  	[tilespmem:s1], [sflag:s0] =	stream.indirect.gather @!p3 [hbm4b:s2+s14], $0x80, s26, s14, $0xb8;
	[tilespmem:$0x1D900] =	vst v63  }
0x43: {  	s9 =	sadd.s32 s9, s10;
	s10 =	sshrl.u32 @!p2 s12, $0x8  }
0x44: {  	s12 =	ssub.s32 @!p2 s11, s10  }
0x45: {  	s9 =	sand.u32 $0xFC, s9;
	s12 =	sand.u32 @!p2 $0xFE, s12  }
0x46: {  	s9 =	sshrl.u32 s9, $0x2;
	s12 =	sshrl.u32 @!p2 s12, $0x1  }
0x47: {  	s9 =	smul.u32 $0x7, s9;
	s10 =	sadd.s32 @!p2 s10, s12  }
0x48: {  	s10 =	sand.u32 @!p2 $0xFC, s10  }
0x49: {  	s9 =	ssub.s32 s28, s9;
	s10 =	sshrl.u32 @!p2 s10, $0x2  }
0x4a: {  	p0 =	slt.u32 @!p2 s28, $0x2;
	s9 =	sand.u32 $0xFF, s9;
	s10 =	smul.u32 @!p2 $0x7, s10  }
0x4b: {  	s13 =	sadd.s32 $0x800, s30;
	p0 =	por p0, p2;
	s29 =	sadd.s32 $0x1, s9  }
0x4c: {  	s30 =	sshll.u32 s9, $0xE;
	_ =	swait.ge [sflag:s29], $0x4000;
	s1 =	ssub.s32 @!p2 s11, s10  }
0x4d: {  	s9 =	sor.u32 $0x8, s9;
	[sflag:s29] =	ssyncset.done $0x0;
	s1 =	sand.u32 @!p2 $0xFF, s1  }
0x4e: {  	s31 =	sor.u32 $0x1900, s30;
	[sflag:s29] =	ssyncadd.s32 $0xFFFFC000;
	s10 =	sadd.s32 @!p0 $0x8, s1  }
0x4f: {  	[hbm4b:s13+s3] =	stream.linear.scatter [tilespmem:s31], [sflag:s9], $0x4000, $0x38;
	[tilespmem:$0x1D900] =	vst v63  }
0x50: {  	p1 =	por p2, p2;
	_ =	swait.ge @!p0 [sflag:s10], $0x4000  }
0x51: {  	s0 =	sshll.u32 @!p2 s1, $0xE;
	s9 =	simm.s32 @!p1 $0x80;
	[sflag:s10] =	ssyncset.done @!p0 $0x0  }
0x52: {  	s1 =	sadd.s32 @!p1 $0x1, s1;
	s0 =	sor.u32 @!p1 $0x1900, s0;
	[sflag:s10] =	ssyncadd.s32 @!p0 $0xFFFFC000  }
0x53: {  	[tilespmem:s0], [sflag:s1] =	stream.indirect.gather @!p1 [hbm4b:s2+s9], $0x80, s25, s9, $0xb8;
	[tilespmem:$0x1D900] =	vst v63  }
0x54: {  	_ =	swait.ge [sflag:s17], $0x4000  }
0x55: {  	[sflag:s17] =	ssyncset.done $0x0  }
0x56: {  	[sflag:s17] =	ssyncadd.s32 $0xFFFFC000  }
0x57: {  	_ =	swait.ge [sflag:s18], $0x4000  }
0x58: {  	[sflag:s18] =	ssyncset.done $0x0  }
0x59: {  	[sflag:s18] =	ssyncadd.s32 $0xFFFFC000  }
0x5a: {  	_ =	swait.ge [sflag:s19], $0x4000  }
0x5b: {  	[sflag:s19] =	ssyncset.done $0x0  }
0x5c: {  	[sflag:s19] =	ssyncadd.s32 $0xFFFFC000  }
0x5d: {  	_ =	swait.ge [sflag:s20], $0x4000  }
0x5e: {  	[sflag:s20] =	ssyncset.done $0x0  }
0x5f: {  	[sflag:s20] =	ssyncadd.s32 $0xFFFFC000  }
0x60: {  	_ =	swait.ge [sflag:s21], $0x4000  }
0x61: {  	[sflag:s21] =	ssyncset.done $0x0  }
0x62: {  	s24 =	sadd.s32 $0x1, s24;
	[sflag:s21] =	ssyncadd.s32 $0xFFFFC000  }
0x63: {  	p0 =	sne.s32 s24, s5;
	_ =	swait.ge [sflag:s22], $0x4000  }
.Ltmp1:
0x64: {  	[sflag:s22] =	ssyncset.done $0x0;
	(pc) =	sbr.rel @p0 .LBB2_1-.Ltmp1, $4  }
0x65: {  	[sflag:s22] =	ssyncadd.s32 $0xFFFFC000  }
0x66: {  	_ =	swait.ge [sflag:s23], $0x4000  }
0x67: {  	[sflag:s23] =	ssyncset.done $0x0  }
0x68: {  	[sflag:s23] =	ssyncadd.s32 $0xFFFFC000  }
0x69: {  	_ =	sfence.sel $0x180000  }
0x6a: {  	[bflag:$0x0] =	sbarrier.arrive $0xFFFF  }
0x6b: {  	_ =	strace $0x90000047  }
0x6c: {  	s0 =	stileid.u32;
	[bflag:$0x2] =	sbarrier.arrive $0xFFFF  }
0x6d: {  	p0 =	sne.s32 s0, $0x0;
	s0 =	rddreg [dreg:$0x3]  }
0x6e: {  	s0 =	sadd.s32 @!p0 $0x100000, s0  }
0x6f: {  	[sflag:s0] =	ssyncadd.tile.s32 @!p0 $0x1;
	_ =	shalt  }
.Lfunc_end2:
_tile_overlayer_lowered:
.L_overlay_start_2:
0x70: {  	(tag) =	ssettag $0x2  }
0x71: {  	s0 =	rddreg [dreg:$0x0];
	s2 =	stileid.u32  }
0x72: {  	s1 =	rddreg [dreg:$0x1];
	p0 =	sne.s32 s2, $0x0  }
0x73: {  	s3 =	rddreg [dreg:$0x2];
	[bflag:$0x3] =	sbarrier.arrive $0xFFFF;
	s2 =	simm.s32 @!p0 $0x1C0F  }
0x74: {  	[timem:s3], [sflag:s2] =	dma.local @!p0 [hbm:s0], s1  }
0x75: {  	s0 =	simm.s32 @!p0 $0xF  }
0x76: {  	_ =	swait.ge @!p0 [sflag:s0], s1  }
0x77: {  	s1 =	ssub.s32 @!p0 $0x0, s1;
	[sflag:s0] =	ssyncset.done @!p0 $0x0  }
0x78: {  	[sflag:s0] =	ssyncadd.s32 @!p0 s1  }
0x79: {  	[bflag:$0x3] =	sbarrier.arrive $0xFFFF  }
0x7a: {  	_ =	shalt  }

</sc_bundles>
